<compile_context>
chip_gen: v7x
topology: tpu7x:2x2x1
jax: 0.10.2.dev20260603
libtpu: 0.0.44.dev20260713+nightly
codegen_flags: <defaults>
</compile_context>

<pallas_src>
import functools

import jax
import jax.numpy as jnp
from jax import lax
from jax.experimental import pallas as pl
from jax.experimental.pallas import tpu as pltpu
from jax.experimental.pallas import tpu_sc as plsc

NUM_EMBEDDINGS = 100000
EMBEDDING_DIM = 128
BATCH = 4096
HIST_LEN = 50

NC = 2
NS = 16
NW = NC * NS

B_PER_W = BATCH // NW
TG = 2
GROUPS = HIST_LEN // TG
NBUF = 2


def _make_kernel():
    mesh = plsc.VectorSubcoreMesh(
        core_axis_name="c", subcore_axis_name="s",
        num_cores=NC, num_subcores=NS)

    @functools.partial(
        pl.kernel,
        out_type=jax.ShapeDtypeStruct((HIST_LEN, BATCH, EMBEDDING_DIM),
                                      jnp.float32),
        mesh=mesh,
        scratch_types=(
            [pltpu.VMEM((HIST_LEN, B_PER_W), jnp.int32)]
            + [pltpu.VMEM((TG, B_PER_W, EMBEDDING_DIM), jnp.float32)
               for _ in range(NBUF)]
            + [pltpu.SemaphoreType.DMA for _ in range(2 * NBUF)]
        ),
    )
    def gather_kernel(idx_hbm, table_hbm, out_hbm, idx_v, *scratch):
        bufs = scratch[:NBUF]
        gsem = scratch[NBUF:2 * NBUF]
        psem = scratch[2 * NBUF:]
        wid = lax.axis_index("s") * NC + lax.axis_index("c")
        bcol = wid * B_PER_W
        pltpu.sync_copy(idx_hbm.at[:, pl.ds(bcol, B_PER_W)], idx_v)

        def gather_group(grp, b):
            for i in range(TG):
                pltpu.async_copy(
                    table_hbm.at[idx_v.at[grp * TG + i]],
                    bufs[b].at[i], gsem[b])

        def wait_group(b):
            for i in range(TG):
                pltpu.make_async_copy(
                    table_hbm.at[idx_v.at[0]],
                    bufs[b].at[i], gsem[b]).wait()

        for b in range(NBUF):
            gather_group(b, b)

        def outer(t, carry):
            for b in range(NBUF):
                grp = t * NBUF + b

                @pl.when(grp < GROUPS)
                def _():
                    wait_group(b)
                    pltpu.async_copy(
                        bufs[b],
                        out_hbm.at[pl.ds(grp * TG, TG), pl.ds(bcol, B_PER_W)],
                        psem[b])
                    gn = grp + NBUF

                    @pl.when(gn < GROUPS)
                    def _():
                        pltpu.make_async_copy(
                            bufs[b],
                            out_hbm.at[pl.ds(0, TG), pl.ds(bcol, B_PER_W)],
                            psem[b]).wait()
                        gather_group(gn, b)
            return carry

        lax.fori_loop(0, (GROUPS + NBUF - 1) // NBUF, outer, 0)
        for b in range(NBUF):
            pltpu.make_async_copy(
                bufs[b],
                out_hbm.at[pl.ds(0, TG), pl.ds(bcol, B_PER_W)],
                psem[b]).wait()

    return gather_kernel


_gather = _make_kernel()


def kernel(token_ids, embedding_mat):
    idx_t = jnp.transpose(token_ids.astype(jnp.int32))
    out = _gather(idx_t, embedding_mat)
    return jnp.transpose(out, (1, 0, 2))

# --- scband reference (transcript-rebuilt; emitter-appended) ---
"""Pipeline reference for scband-embedding-71846212927489 (READ-ONLY COPY).

The authoritative reference and input builder live on the scoring server;
editing this copy changes nothing except your own understanding.
"""

import jax, jax.numpy as jnp
import numpy as np

NUM_EMBEDDINGS = 100000
EMBEDDING_DIM = 128
BATCH = 4096
HIST_LEN = 50


def setup_inputs(seed: int = 0) -> dict:
    key = jax.random.key(seed)
    k_idx, k_w = jax.random.split(key)
    token_ids = jax.random.randint(k_idx, (BATCH, HIST_LEN), 0, NUM_EMBEDDINGS, dtype=jnp.int64 if jax.config.jax_enable_x64 else jnp.int32)
    # trunc_normal_(mean=0, std=1, a=-3, b=3)
    embedding_mat = jax.random.truncated_normal(k_w, -3.0, 3.0, (NUM_EMBEDDINGS, EMBEDDING_DIM), dtype=jnp.float32)
    return {"token_ids": token_ids, "embedding_mat": embedding_mat}


def reference(token_ids, embedding_mat):
    # self.embedding_mat[token_ids]
    return jnp.take(embedding_mat, token_ids, axis=0)

if __name__ == "__main__":
    import jax
    _d = setup_inputs()
    print(jax.jit(kernel)(*tuple(_d.values())))

</pallas_src>

<mosaic_0001>
#map = affine_map<(d0, d1) -> (0, 0)>
#map1 = affine_map<(d0, d1) -> (0, 0, 0)>
module attributes {stable_mosaic.version = 14 : i64} {
  func.func @gather_kernel(%arg0: i32, %arg1: i32, %arg2: memref<50x4096xi32, #tpu.memory_space<hbm>>, %arg3: memref<100000x128xf32, #tpu.memory_space<hbm>>, %arg4: memref<50x4096x128xf32, #tpu.memory_space<hbm>>, %arg5: memref<50x128xi32, #tpu.memory_space<vmem>>, %arg6: memref<2x128x128xf32, #tpu.memory_space<vmem>>, %arg7: memref<2x128x128xf32, #tpu.memory_space<vmem>>, %arg8: memref<!tpu.dma_semaphore, #tpu.memory_space<semaphore_mem>>, %arg9: memref<!tpu.dma_semaphore, #tpu.memory_space<semaphore_mem>>, %arg10: memref<!tpu.dma_semaphore, #tpu.memory_space<semaphore_mem>>, %arg11: memref<!tpu.dma_semaphore, #tpu.memory_space<semaphore_mem>>) attributes {dimension_semantics = [#tpu.dimension_semantics<core_parallel>, #tpu.dimension_semantics<subcore_parallel>], iteration_bounds = array<i64: 2, 16>, scalar_prefetch = 0 : i64, scratch_operands = 7 : i64, tpu.core_type = #tpu.core_type<sc_vector_subcore>, window_params = [{transform_indices = #map}, {transform_indices = #map}, {transform_indices = #map1}]} {
    %mul3A = arith.constant 2 : i32
    %mul3A_0 = arith.muli %arg1, %mul3A : i32
    %add3A = arith.addi %mul3A_0, %arg0 : i32
    %mul3A_1 = arith.constant 128 : i32
    %mul3A_2 = arith.muli %add3A, %mul3A_1 : i32
    "tpu.region"() ({
      %run_scoped3A = tpu.sem_alloc : memref<!tpu.dma_semaphore, #tpu.memory_space<semaphore_mem>>
      %dma_start3A_66 = arith.constant 0 : i32
      %dma_start3A_67 = tpu.memref_slice %arg2[%dma_start3A_66, %mul3A_2] : memref<50x4096xi32, #tpu.memory_space<hbm>> -> memref<50x128xi32, #tpu.memory_space<hbm>>
      %dma_start3A_68 = arith.constant 0 : i32
      %dma_start3A_69 = tpu.memref_slice %arg2[%dma_start3A_68, %mul3A_2] : memref<50x4096xi32, #tpu.memory_space<hbm>> -> memref<50x128xi32, #tpu.memory_space<hbm>>
      tpu.enqueue_dma source(%dma_start3A_69 : memref<50x128xi32, #tpu.memory_space<hbm>>) target(%arg5 : memref<50x128xi32, #tpu.memory_space<vmem>>) target_semaphore(%run_scoped3A : memref<!tpu.dma_semaphore, #tpu.memory_space<semaphore_mem>>)
      %dma_wait3A_70 = arith.constant 0 : i32
      %dma_wait3A_71 = tpu.memref_slice %arg2[%dma_wait3A_70, %mul3A_2] : memref<50x4096xi32, #tpu.memory_space<hbm>> -> memref<50x128xi32, #tpu.memory_space<hbm>>
      %dma_wait3A_72 = arith.constant 0 : i32
      %dma_wait3A_73 = tpu.memref_slice %arg2[%dma_wait3A_72, %mul3A_2] : memref<50x4096xi32, #tpu.memory_space<hbm>> -> memref<50x128xi32, #tpu.memory_space<hbm>>
      tpu.wait_dma2 semaphore(%run_scoped3A : memref<!tpu.dma_semaphore, #tpu.memory_space<semaphore_mem>>) src(%dma_wait3A_73 : memref<50x128xi32, #tpu.memory_space<hbm>>) dst(%arg5 : memref<50x128xi32, #tpu.memory_space<vmem>>)
      tpu.yield
    }) : () -> ()
    %dma_start3A = arith.constant 0 : i32
    %dma_start3A_3 = arith.constant 0 : i32
    %dma_start3A_4 = arith.constant 0 : i32
    %dma_start3A_5 = arith.constant 0 : i32
    %dma_start3A_6 = tpu.memref_slice %arg6[%dma_start3A_3, %dma_start3A_4, %dma_start3A_5] : memref<2x128x128xf32, #tpu.memory_space<vmem>> -> memref<1x128x128xf32, #tpu.memory_space<vmem>>
    %dma_start3A_7 = tpu.memref_squeeze %dma_start3A_6 : memref<1x128x128xf32, #tpu.memory_space<vmem>> -> memref<128x128xf32, #tpu.memory_space<vmem>>
    %dma_start3A_8 = arith.constant 0 : i32
    %dma_start3A_9 = tpu.memref_slice %arg5[%dma_start3A, %dma_start3A_8] : memref<50x128xi32, #tpu.memory_space<vmem>> -> memref<1x128xi32, #tpu.memory_space<vmem>>
    %dma_start3A_10 = tpu.memref_squeeze %dma_start3A_9 : memref<1x128xi32, #tpu.memory_space<vmem>> -> memref<128xi32, #tpu.memory_space<vmem>>
    %dma_start3A_11 = arith.constant 0 : i32
    %dma_start3A_12 = arith.constant 0 : i32
    %dma_start3A_13 = tpu.memref_slice %arg3[%dma_start3A_11, %dma_start3A_12] : memref<100000x128xf32, #tpu.memory_space<hbm>> -> memref<100000x128xf32, #tpu.memory_space<hbm>>
    tpu.enqueue_indirect_dma source(%dma_start3A_13 : memref<100000x128xf32, #tpu.memory_space<hbm>>) target(%dma_start3A_7 : memref<128x128xf32, #tpu.memory_space<vmem>>) offsets(%dma_start3A_10 : memref<128xi32, #tpu.memory_space<vmem>>) semaphore(%arg8 : memref<!tpu.dma_semaphore, #tpu.memory_space<semaphore_mem>>)
    %dma_start3A_14 = arith.constant 1 : i32
    %dma_start3A_15 = arith.constant 1 : i32
    %dma_start3A_16 = arith.constant 0 : i32
    %dma_start3A_17 = arith.constant 0 : i32
    %dma_start3A_18 = tpu.memref_slice %arg6[%dma_start3A_15, %dma_start3A_16, %dma_start3A_17] : memref<2x128x128xf32, #tpu.memory_space<vmem>> -> memref<1x128x128xf32, #tpu.memory_space<vmem>>
    %dma_start3A_19 = tpu.memref_squeeze %dma_start3A_18 : memref<1x128x128xf32, #tpu.memory_space<vmem>> -> memref<128x128xf32, #tpu.memory_space<vmem>>
    %dma_start3A_20 = arith.constant 0 : i32
    %dma_start3A_21 = tpu.memref_slice %arg5[%dma_start3A_14, %dma_start3A_20] : memref<50x128xi32, #tpu.memory_space<vmem>> -> memref<1x128xi32, #tpu.memory_space<vmem>>
    %dma_start3A_22 = tpu.memref_squeeze %dma_start3A_21 : memref<1x128xi32, #tpu.memory_space<vmem>> -> memref<128xi32, #tpu.memory_space<vmem>>
    %dma_start3A_23 = arith.constant 0 : i32
    %dma_start3A_24 = arith.constant 0 : i32
    %dma_start3A_25 = tpu.memref_slice %arg3[%dma_start3A_23, %dma_start3A_24] : memref<100000x128xf32, #tpu.memory_space<hbm>> -> memref<100000x128xf32, #tpu.memory_space<hbm>>
    tpu.enqueue_indirect_dma source(%dma_start3A_25 : memref<100000x128xf32, #tpu.memory_space<hbm>>) target(%dma_start3A_19 : memref<128x128xf32, #tpu.memory_space<vmem>>) offsets(%dma_start3A_22 : memref<128xi32, #tpu.memory_space<vmem>>) semaphore(%arg8 : memref<!tpu.dma_semaphore, #tpu.memory_space<semaphore_mem>>)
    %dma_start3A_26 = arith.constant 2 : i32
    %dma_start3A_27 = arith.constant 0 : i32
    %dma_start3A_28 = arith.constant 0 : i32
    %dma_start3A_29 = arith.constant 0 : i32
    %dma_start3A_30 = tpu.memref_slice %arg7[%dma_start3A_27, %dma_start3A_28, %dma_start3A_29] : memref<2x128x128xf32, #tpu.memory_space<vmem>> -> memref<1x128x128xf32, #tpu.memory_space<vmem>>
    %dma_start3A_31 = tpu.memref_squeeze %dma_start3A_30 : memref<1x128x128xf32, #tpu.memory_space<vmem>> -> memref<128x128xf32, #tpu.memory_space<vmem>>
    %dma_start3A_32 = arith.constant 0 : i32
    %dma_start3A_33 = tpu.memref_slice %arg5[%dma_start3A_26, %dma_start3A_32] : memref<50x128xi32, #tpu.memory_space<vmem>> -> memref<1x128xi32, #tpu.memory_space<vmem>>
    %dma_start3A_34 = tpu.memref_squeeze %dma_start3A_33 : memref<1x128xi32, #tpu.memory_space<vmem>> -> memref<128xi32, #tpu.memory_space<vmem>>
    %dma_start3A_35 = arith.constant 0 : i32
    %dma_start3A_36 = arith.constant 0 : i32
    %dma_start3A_37 = tpu.memref_slice %arg3[%dma_start3A_35, %dma_start3A_36] : memref<100000x128xf32, #tpu.memory_space<hbm>> -> memref<100000x128xf32, #tpu.memory_space<hbm>>
    tpu.enqueue_indirect_dma source(%dma_start3A_37 : memref<100000x128xf32, #tpu.memory_space<hbm>>) target(%dma_start3A_31 : memref<128x128xf32, #tpu.memory_space<vmem>>) offsets(%dma_start3A_34 : memref<128xi32, #tpu.memory_space<vmem>>) semaphore(%arg9 : memref<!tpu.dma_semaphore, #tpu.memory_space<semaphore_mem>>)
    %dma_start3A_38 = arith.constant 3 : i32
    %dma_start3A_39 = arith.constant 1 : i32
    %dma_start3A_40 = arith.constant 0 : i32
    %dma_start3A_41 = arith.constant 0 : i32
    %dma_start3A_42 = tpu.memref_slice %arg7[%dma_start3A_39, %dma_start3A_40, %dma_start3A_41] : memref<2x128x128xf32, #tpu.memory_space<vmem>> -> memref<1x128x128xf32, #tpu.memory_space<vmem>>
    %dma_start3A_43 = tpu.memref_squeeze %dma_start3A_42 : memref<1x128x128xf32, #tpu.memory_space<vmem>> -> memref<128x128xf32, #tpu.memory_space<vmem>>
    %dma_start3A_44 = arith.constant 0 : i32
    %dma_start3A_45 = tpu.memref_slice %arg5[%dma_start3A_38, %dma_start3A_44] : memref<50x128xi32, #tpu.memory_space<vmem>> -> memref<1x128xi32, #tpu.memory_space<vmem>>
    %dma_start3A_46 = tpu.memref_squeeze %dma_start3A_45 : memref<1x128xi32, #tpu.memory_space<vmem>> -> memref<128xi32, #tpu.memory_space<vmem>>
    %dma_start3A_47 = arith.constant 0 : i32
    %dma_start3A_48 = arith.constant 0 : i32
    %dma_start3A_49 = tpu.memref_slice %arg3[%dma_start3A_47, %dma_start3A_48] : memref<100000x128xf32, #tpu.memory_space<hbm>> -> memref<100000x128xf32, #tpu.memory_space<hbm>>
    tpu.enqueue_indirect_dma source(%dma_start3A_49 : memref<100000x128xf32, #tpu.memory_space<hbm>>) target(%dma_start3A_43 : memref<128x128xf32, #tpu.memory_space<vmem>>) offsets(%dma_start3A_46 : memref<128xi32, #tpu.memory_space<vmem>>) semaphore(%arg9 : memref<!tpu.dma_semaphore, #tpu.memory_space<semaphore_mem>>)
    %scan3A = arith.constant 0 : i32
    %scan3A_50 = arith.constant 0 : i32
    %scan3A_51 = arith.constant 13 : i32
    %scan3A_52 = arith.addi %scan3A_50, %scan3A_51 : i32
    %scan3A_53 = arith.constant 1 : i32
    scf.for %scan3A_66 = %scan3A_50 to %scan3A_52 step %scan3A_53  : i32 {
      %mul3A_67 = arith.constant 2 : i32
      %mul3A_68 = arith.muli %scan3A_66, %mul3A_67 : i32
      %add3A_69 = arith.constant 0 : i32
      %add3A_70 = arith.addi %mul3A_68, %add3A_69 : i32
      %lt3A = arith.constant 25 : i32
      %lt3A_71 = arith.cmpi slt, %add3A_70, %lt3A : i32
      %convert_element_type3A = arith.extui %lt3A_71 : i1 to i32
      %cond3A = arith.constant 0 : i32
      %cond3A_72 = arith.cmpi ne, %convert_element_type3A, %cond3A : i32
      scf.if %cond3A_72 {
        %dma_wait3A_82 = arith.constant 0 : i32
        %dma_wait3A_83 = arith.constant 0 : i32
        %dma_wait3A_84 = arith.constant 0 : i32
        %dma_wait3A_85 = arith.constant 0 : i32
        %dma_wait3A_86 = tpu.memref_slice %arg6[%dma_wait3A_83, %dma_wait3A_84, %dma_wait3A_85] : memref<2x128x128xf32, #tpu.memory_space<vmem>> -> memref<1x128x128xf32, #tpu.memory_space<vmem>>
        %dma_wait3A_87 = tpu.memref_squeeze %dma_wait3A_86 : memref<1x128x128xf32, #tpu.memory_space<vmem>> -> memref<128x128xf32, #tpu.memory_space<vmem>>
        %dma_wait3A_88 = arith.constant 0 : i32
        %dma_wait3A_89 = tpu.memref_slice %arg5[%dma_wait3A_82, %dma_wait3A_88] : memref<50x128xi32, #tpu.memory_space<vmem>> -> memref<1x128xi32, #tpu.memory_space<vmem>>
        %dma_wait3A_90 = tpu.memref_squeeze %dma_wait3A_89 : memref<1x128xi32, #tpu.memory_space<vmem>> -> memref<128xi32, #tpu.memory_space<vmem>>
        %dma_wait3A_91 = arith.constant 0 : i32
        %dma_wait3A_92 = arith.constant 0 : i32
        %dma_wait3A_93 = tpu.memref_slice %arg3[%dma_wait3A_91, %dma_wait3A_92] : memref<100000x128xf32, #tpu.memory_space<hbm>> -> memref<100000x128xf32, #tpu.memory_space<hbm>>
        tpu.wait_indirect_dma semaphore(%arg8 : memref<!tpu.dma_semaphore, #tpu.memory_space<semaphore_mem>>) src(%dma_wait3A_93 : memref<100000x128xf32, #tpu.memory_space<hbm>>) dst(%dma_wait3A_87 : memref<128x128xf32, #tpu.memory_space<vmem>>)
        %dma_wait3A_94 = arith.constant 0 : i32
        %dma_wait3A_95 = arith.constant 1 : i32
        %dma_wait3A_96 = arith.constant 0 : i32
        %dma_wait3A_97 = arith.constant 0 : i32
        %dma_wait3A_98 = tpu.memref_slice %arg6[%dma_wait3A_95, %dma_wait3A_96, %dma_wait3A_97] : memref<2x128x128xf32, #tpu.memory_space<vmem>> -> memref<1x128x128xf32, #tpu.memory_space<vmem>>
        %dma_wait3A_99 = tpu.memref_squeeze %dma_wait3A_98 : memref<1x128x128xf32, #tpu.memory_space<vmem>> -> memref<128x128xf32, #tpu.memory_space<vmem>>
        %dma_wait3A_100 = arith.constant 0 : i32
        %dma_wait3A_101 = tpu.memref_slice %arg5[%dma_wait3A_94, %dma_wait3A_100] : memref<50x128xi32, #tpu.memory_space<vmem>> -> memref<1x128xi32, #tpu.memory_space<vmem>>
        %dma_wait3A_102 = tpu.memref_squeeze %dma_wait3A_101 : memref<1x128xi32, #tpu.memory_space<vmem>> -> memref<128xi32, #tpu.memory_space<vmem>>
        %dma_wait3A_103 = arith.constant 0 : i32
        %dma_wait3A_104 = arith.constant 0 : i32
        %dma_wait3A_105 = tpu.memref_slice %arg3[%dma_wait3A_103, %dma_wait3A_104] : memref<100000x128xf32, #tpu.memory_space<hbm>> -> memref<100000x128xf32, #tpu.memory_space<hbm>>
        tpu.wait_indirect_dma semaphore(%arg8 : memref<!tpu.dma_semaphore, #tpu.memory_space<semaphore_mem>>) src(%dma_wait3A_105 : memref<100000x128xf32, #tpu.memory_space<hbm>>) dst(%dma_wait3A_99 : memref<128x128xf32, #tpu.memory_space<vmem>>)
        %mul3A_106 = arith.constant 2 : i32
        %mul3A_107 = arith.muli %add3A_70, %mul3A_106 : i32
        %dma_start3A_108 = arith.constant 0 : i32
        %dma_start3A_109 = tpu.memref_slice %arg4[%mul3A_107, %mul3A_2, %dma_start3A_108] : memref<50x4096x128xf32, #tpu.memory_space<hbm>> -> memref<2x128x128xf32, #tpu.memory_space<hbm>>
        %dma_start3A_110 = arith.constant 0 : i32
        %dma_start3A_111 = tpu.memref_slice %arg4[%mul3A_107, %mul3A_2, %dma_start3A_110] : memref<50x4096x128xf32, #tpu.memory_space<hbm>> -> memref<2x128x128xf32, #tpu.memory_space<hbm>>
        tpu.enqueue_dma source(%arg6 : memref<2x128x128xf32, #tpu.memory_space<vmem>>) target(%dma_start3A_111 : memref<2x128x128xf32, #tpu.memory_space<hbm>>) target_semaphore(%arg10 : memref<!tpu.dma_semaphore, #tpu.memory_space<semaphore_mem>>)
        %add3A_112 = arith.constant 2 : i32
        %add3A_113 = arith.addi %add3A_70, %add3A_112 : i32
        %lt3A_114 = arith.constant 25 : i32
        %lt3A_115 = arith.cmpi slt, %add3A_113, %lt3A_114 : i32
        %convert_element_type3A_116 = arith.extui %lt3A_115 : i1 to i32
        %cond3A_117 = arith.constant 0 : i32
        %cond3A_118 = arith.cmpi ne, %convert_element_type3A_116, %cond3A_117 : i32
        scf.if %cond3A_118 {
          %dma_wait3A_119 = arith.constant 0 : i32
          %dma_wait3A_120 = arith.constant 0 : i32
          %dma_wait3A_121 = tpu.memref_slice %arg4[%dma_wait3A_119, %mul3A_2, %dma_wait3A_120] : memref<50x4096x128xf32, #tpu.memory_space<hbm>> -> memref<2x128x128xf32, #tpu.memory_space<hbm>>
          %dma_wait3A_122 = arith.constant 0 : i32
          %dma_wait3A_123 = arith.constant 0 : i32
          %dma_wait3A_124 = tpu.memref_slice %arg4[%dma_wait3A_122, %mul3A_2, %dma_wait3A_123] : memref<50x4096x128xf32, #tpu.memory_space<hbm>> -> memref<2x128x128xf32, #tpu.memory_space<hbm>>
          tpu.wait_dma2 semaphore(%arg10 : memref<!tpu.dma_semaphore, #tpu.memory_space<semaphore_mem>>) src(%arg6 : memref<2x128x128xf32, #tpu.memory_space<vmem>>) dst(%dma_wait3A_124 : memref<2x128x128xf32, #tpu.memory_space<hbm>>)
          %mul3A_125 = arith.constant 2 : i32
          %mul3A_126 = arith.muli %add3A_113, %mul3A_125 : i32
          %add3A_127 = arith.constant 0 : i32
          %add3A_128 = arith.addi %mul3A_126, %add3A_127 : i32
          %dma_start3A_129 = arith.constant 0 : i32
          %dma_start3A_130 = arith.constant 0 : i32
          %dma_start3A_131 = arith.constant 0 : i32
          %dma_start3A_132 = tpu.memref_slice %arg6[%dma_start3A_129, %dma_start3A_130, %dma_start3A_131] : memref<2x128x128xf32, #tpu.memory_space<vmem>> -> memref<1x128x128xf32, #tpu.memory_space<vmem>>
          %dma_start3A_133 = tpu.memref_squeeze %dma_start3A_132 : memref<1x128x128xf32, #tpu.memory_space<vmem>> -> memref<128x128xf32, #tpu.memory_space<vmem>>
          %dma_start3A_134 = arith.constant 0 : i32
          %dma_start3A_135 = tpu.memref_slice %arg5[%add3A_128, %dma_start3A_134] : memref<50x128xi32, #tpu.memory_space<vmem>> -> memref<1x128xi32, #tpu.memory_space<vmem>>
          %dma_start3A_136 = tpu.memref_squeeze %dma_start3A_135 : memref<1x128xi32, #tpu.memory_space<vmem>> -> memref<128xi32, #tpu.memory_space<vmem>>
          %dma_start3A_137 = arith.constant 0 : i32
          %dma_start3A_138 = arith.constant 0 : i32
          %dma_start3A_139 = tpu.memref_slice %arg3[%dma_start3A_137, %dma_start3A_138] : memref<100000x128xf32, #tpu.memory_space<hbm>> -> memref<100000x128xf32, #tpu.memory_space<hbm>>
          tpu.enqueue_indirect_dma source(%dma_start3A_139 : memref<100000x128xf32, #tpu.memory_space<hbm>>) target(%dma_start3A_133 : memref<128x128xf32, #tpu.memory_space<vmem>>) offsets(%dma_start3A_136 : memref<128xi32, #tpu.memory_space<vmem>>) semaphore(%arg8 : memref<!tpu.dma_semaphore, #tpu.memory_space<semaphore_mem>>)
          %mul3A_140 = arith.constant 2 : i32
          %mul3A_141 = arith.muli %add3A_113, %mul3A_140 : i32
          %add3A_142 = arith.constant 1 : i32
          %add3A_143 = arith.addi %mul3A_141, %add3A_142 : i32
          %dma_start3A_144 = arith.constant 1 : i32
          %dma_start3A_145 = arith.constant 0 : i32
          %dma_start3A_146 = arith.constant 0 : i32
          %dma_start3A_147 = tpu.memref_slice %arg6[%dma_start3A_144, %dma_start3A_145, %dma_start3A_146] : memref<2x128x128xf32, #tpu.memory_space<vmem>> -> memref<1x128x128xf32, #tpu.memory_space<vmem>>
          %dma_start3A_148 = tpu.memref_squeeze %dma_start3A_147 : memref<1x128x128xf32, #tpu.memory_space<vmem>> -> memref<128x128xf32, #tpu.memory_space<vmem>>
          %dma_start3A_149 = arith.constant 0 : i32
          %dma_start3A_150 = tpu.memref_slice %arg5[%add3A_143, %dma_start3A_149] : memref<50x128xi32, #tpu.memory_space<vmem>> -> memref<1x128xi32, #tpu.memory_space<vmem>>
          %dma_start3A_151 = tpu.memref_squeeze %dma_start3A_150 : memref<1x128xi32, #tpu.memory_space<vmem>> -> memref<128xi32, #tpu.memory_space<vmem>>
          %dma_start3A_152 = arith.constant 0 : i32
          %dma_start3A_153 = arith.constant 0 : i32
          %dma_start3A_154 = tpu.memref_slice %arg3[%dma_start3A_152, %dma_start3A_153] : memref<100000x128xf32, #tpu.memory_space<hbm>> -> memref<100000x128xf32, #tpu.memory_space<hbm>>
          tpu.enqueue_indirect_dma source(%dma_start3A_154 : memref<100000x128xf32, #tpu.memory_space<hbm>>) target(%dma_start3A_148 : memref<128x128xf32, #tpu.memory_space<vmem>>) offsets(%dma_start3A_151 : memref<128xi32, #tpu.memory_space<vmem>>) semaphore(%arg8 : memref<!tpu.dma_semaphore, #tpu.memory_space<semaphore_mem>>)
        } else {
        }
      } else {
      }
      %mul3A_73 = arith.constant 2 : i32
      %mul3A_74 = arith.muli %scan3A_66, %mul3A_73 : i32
      %add3A_75 = arith.constant 1 : i32
      %add3A_76 = arith.addi %mul3A_74, %add3A_75 : i32
      %lt3A_77 = arith.constant 25 : i32
      %lt3A_78 = arith.cmpi slt, %add3A_76, %lt3A_77 : i32
      %convert_element_type3A_79 = arith.extui %lt3A_78 : i1 to i32
      %cond3A_80 = arith.constant 0 : i32
      %cond3A_81 = arith.cmpi ne, %convert_element_type3A_79, %cond3A_80 : i32
      scf.if %cond3A_81 {
        %dma_wait3A_82 = arith.constant 0 : i32
        %dma_wait3A_83 = arith.constant 0 : i32
        %dma_wait3A_84 = arith.constant 0 : i32
        %dma_wait3A_85 = arith.constant 0 : i32
        %dma_wait3A_86 = tpu.memref_slice %arg7[%dma_wait3A_83, %dma_wait3A_84, %dma_wait3A_85] : memref<2x128x128xf32, #tpu.memory_space<vmem>> -> memref<1x128x128xf32, #tpu.memory_space<vmem>>
        %dma_wait3A_87 = tpu.memref_squeeze %dma_wait3A_86 : memref<1x128x128xf32, #tpu.memory_space<vmem>> -> memref<128x128xf32, #tpu.memory_space<vmem>>
        %dma_wait3A_88 = arith.constant 0 : i32
        %dma_wait3A_89 = tpu.memref_slice %arg5[%dma_wait3A_82, %dma_wait3A_88] : memref<50x128xi32, #tpu.memory_space<vmem>> -> memref<1x128xi32, #tpu.memory_space<vmem>>
        %dma_wait3A_90 = tpu.memref_squeeze %dma_wait3A_89 : memref<1x128xi32, #tpu.memory_space<vmem>> -> memref<128xi32, #tpu.memory_space<vmem>>
        %dma_wait3A_91 = arith.constant 0 : i32
        %dma_wait3A_92 = arith.constant 0 : i32
        %dma_wait3A_93 = tpu.memref_slice %arg3[%dma_wait3A_91, %dma_wait3A_92] : memref<100000x128xf32, #tpu.memory_space<hbm>> -> memref<100000x128xf32, #tpu.memory_space<hbm>>
        tpu.wait_indirect_dma semaphore(%arg9 : memref<!tpu.dma_semaphore, #tpu.memory_space<semaphore_mem>>) src(%dma_wait3A_93 : memref<100000x128xf32, #tpu.memory_space<hbm>>) dst(%dma_wait3A_87 : memref<128x128xf32, #tpu.memory_space<vmem>>)
        %dma_wait3A_94 = arith.constant 0 : i32
        %dma_wait3A_95 = arith.constant 1 : i32
        %dma_wait3A_96 = arith.constant 0 : i32
        %dma_wait3A_97 = arith.constant 0 : i32
        %dma_wait3A_98 = tpu.memref_slice %arg7[%dma_wait3A_95, %dma_wait3A_96, %dma_wait3A_97] : memref<2x128x128xf32, #tpu.memory_space<vmem>> -> memref<1x128x128xf32, #tpu.memory_space<vmem>>
        %dma_wait3A_99 = tpu.memref_squeeze %dma_wait3A_98 : memref<1x128x128xf32, #tpu.memory_space<vmem>> -> memref<128x128xf32, #tpu.memory_space<vmem>>
        %dma_wait3A_100 = arith.constant 0 : i32
        %dma_wait3A_101 = tpu.memref_slice %arg5[%dma_wait3A_94, %dma_wait3A_100] : memref<50x128xi32, #tpu.memory_space<vmem>> -> memref<1x128xi32, #tpu.memory_space<vmem>>
        %dma_wait3A_102 = tpu.memref_squeeze %dma_wait3A_101 : memref<1x128xi32, #tpu.memory_space<vmem>> -> memref<128xi32, #tpu.memory_space<vmem>>
        %dma_wait3A_103 = arith.constant 0 : i32
        %dma_wait3A_104 = arith.constant 0 : i32
        %dma_wait3A_105 = tpu.memref_slice %arg3[%dma_wait3A_103, %dma_wait3A_104] : memref<100000x128xf32, #tpu.memory_space<hbm>> -> memref<100000x128xf32, #tpu.memory_space<hbm>>
        tpu.wait_indirect_dma semaphore(%arg9 : memref<!tpu.dma_semaphore, #tpu.memory_space<semaphore_mem>>) src(%dma_wait3A_105 : memref<100000x128xf32, #tpu.memory_space<hbm>>) dst(%dma_wait3A_99 : memref<128x128xf32, #tpu.memory_space<vmem>>)
        %mul3A_106 = arith.constant 2 : i32
        %mul3A_107 = arith.muli %add3A_76, %mul3A_106 : i32
        %dma_start3A_108 = arith.constant 0 : i32
        %dma_start3A_109 = tpu.memref_slice %arg4[%mul3A_107, %mul3A_2, %dma_start3A_108] : memref<50x4096x128xf32, #tpu.memory_space<hbm>> -> memref<2x128x128xf32, #tpu.memory_space<hbm>>
        %dma_start3A_110 = arith.constant 0 : i32
        %dma_start3A_111 = tpu.memref_slice %arg4[%mul3A_107, %mul3A_2, %dma_start3A_110] : memref<50x4096x128xf32, #tpu.memory_space<hbm>> -> memref<2x128x128xf32, #tpu.memory_space<hbm>>
        tpu.enqueue_dma source(%arg7 : memref<2x128x128xf32, #tpu.memory_space<vmem>>) target(%dma_start3A_111 : memref<2x128x128xf32, #tpu.memory_space<hbm>>) target_semaphore(%arg11 : memref<!tpu.dma_semaphore, #tpu.memory_space<semaphore_mem>>)
        %add3A_112 = arith.constant 2 : i32
        %add3A_113 = arith.addi %add3A_76, %add3A_112 : i32
        %lt3A_114 = arith.constant 25 : i32
        %lt3A_115 = arith.cmpi slt, %add3A_113, %lt3A_114 : i32
        %convert_element_type3A_116 = arith.extui %lt3A_115 : i1 to i32
        %cond3A_117 = arith.constant 0 : i32
        %cond3A_118 = arith.cmpi ne, %convert_element_type3A_116, %cond3A_117 : i32
        scf.if %cond3A_118 {
          %dma_wait3A_119 = arith.constant 0 : i32
          %dma_wait3A_120 = arith.constant 0 : i32
          %dma_wait3A_121 = tpu.memref_slice %arg4[%dma_wait3A_119, %mul3A_2, %dma_wait3A_120] : memref<50x4096x128xf32, #tpu.memory_space<hbm>> -> memref<2x128x128xf32, #tpu.memory_space<hbm>>
          %dma_wait3A_122 = arith.constant 0 : i32
          %dma_wait3A_123 = arith.constant 0 : i32
          %dma_wait3A_124 = tpu.memref_slice %arg4[%dma_wait3A_122, %mul3A_2, %dma_wait3A_123] : memref<50x4096x128xf32, #tpu.memory_space<hbm>> -> memref<2x128x128xf32, #tpu.memory_space<hbm>>
          tpu.wait_dma2 semaphore(%arg11 : memref<!tpu.dma_semaphore, #tpu.memory_space<semaphore_mem>>) src(%arg7 : memref<2x128x128xf32, #tpu.memory_space<vmem>>) dst(%dma_wait3A_124 : memref<2x128x128xf32, #tpu.memory_space<hbm>>)
          %mul3A_125 = arith.constant 2 : i32
          %mul3A_126 = arith.muli %add3A_113, %mul3A_125 : i32
          %add3A_127 = arith.constant 0 : i32
          %add3A_128 = arith.addi %mul3A_126, %add3A_127 : i32
          %dma_start3A_129 = arith.constant 0 : i32
          %dma_start3A_130 = arith.constant 0 : i32
          %dma_start3A_131 = arith.constant 0 : i32
          %dma_start3A_132 = tpu.memref_slice %arg7[%dma_start3A_129, %dma_start3A_130, %dma_start3A_131] : memref<2x128x128xf32, #tpu.memory_space<vmem>> -> memref<1x128x128xf32, #tpu.memory_space<vmem>>
          %dma_start3A_133 = tpu.memref_squeeze %dma_start3A_132 : memref<1x128x128xf32, #tpu.memory_space<vmem>> -> memref<128x128xf32, #tpu.memory_space<vmem>>
          %dma_start3A_134 = arith.constant 0 : i32
          %dma_start3A_135 = tpu.memref_slice %arg5[%add3A_128, %dma_start3A_134] : memref<50x128xi32, #tpu.memory_space<vmem>> -> memref<1x128xi32, #tpu.memory_space<vmem>>
          %dma_start3A_136 = tpu.memref_squeeze %dma_start3A_135 : memref<1x128xi32, #tpu.memory_space<vmem>> -> memref<128xi32, #tpu.memory_space<vmem>>
          %dma_start3A_137 = arith.constant 0 : i32
          %dma_start3A_138 = arith.constant 0 : i32
          %dma_start3A_139 = tpu.memref_slice %arg3[%dma_start3A_137, %dma_start3A_138] : memref<100000x128xf32, #tpu.memory_space<hbm>> -> memref<100000x128xf32, #tpu.memory_space<hbm>>
          tpu.enqueue_indirect_dma source(%dma_start3A_139 : memref<100000x128xf32, #tpu.memory_space<hbm>>) target(%dma_start3A_133 : memref<128x128xf32, #tpu.memory_space<vmem>>) offsets(%dma_start3A_136 : memref<128xi32, #tpu.memory_space<vmem>>) semaphore(%arg9 : memref<!tpu.dma_semaphore, #tpu.memory_space<semaphore_mem>>)
          %mul3A_140 = arith.constant 2 : i32
          %mul3A_141 = arith.muli %add3A_113, %mul3A_140 : i32
          %add3A_142 = arith.constant 1 : i32
          %add3A_143 = arith.addi %mul3A_141, %add3A_142 : i32
          %dma_start3A_144 = arith.constant 1 : i32
          %dma_start3A_145 = arith.constant 0 : i32
          %dma_start3A_146 = arith.constant 0 : i32
          %dma_start3A_147 = tpu.memref_slice %arg7[%dma_start3A_144, %dma_start3A_145, %dma_start3A_146] : memref<2x128x128xf32, #tpu.memory_space<vmem>> -> memref<1x128x128xf32, #tpu.memory_space<vmem>>
          %dma_start3A_148 = tpu.memref_squeeze %dma_start3A_147 : memref<1x128x128xf32, #tpu.memory_space<vmem>> -> memref<128x128xf32, #tpu.memory_space<vmem>>
          %dma_start3A_149 = arith.constant 0 : i32
          %dma_start3A_150 = tpu.memref_slice %arg5[%add3A_143, %dma_start3A_149] : memref<50x128xi32, #tpu.memory_space<vmem>> -> memref<1x128xi32, #tpu.memory_space<vmem>>
          %dma_start3A_151 = tpu.memref_squeeze %dma_start3A_150 : memref<1x128xi32, #tpu.memory_space<vmem>> -> memref<128xi32, #tpu.memory_space<vmem>>
          %dma_start3A_152 = arith.constant 0 : i32
          %dma_start3A_153 = arith.constant 0 : i32
          %dma_start3A_154 = tpu.memref_slice %arg3[%dma_start3A_152, %dma_start3A_153] : memref<100000x128xf32, #tpu.memory_space<hbm>> -> memref<100000x128xf32, #tpu.memory_space<hbm>>
          tpu.enqueue_indirect_dma source(%dma_start3A_154 : memref<100000x128xf32, #tpu.memory_space<hbm>>) target(%dma_start3A_148 : memref<128x128xf32, #tpu.memory_space<vmem>>) offsets(%dma_start3A_151 : memref<128xi32, #tpu.memory_space<vmem>>) semaphore(%arg9 : memref<!tpu.dma_semaphore, #tpu.memory_space<semaphore_mem>>)
        } else {
        }
      } else {
      }
    }
    %scan3A_54 = arith.constant 13 : i32
    %dma_wait3A = arith.constant 0 : i32
    %dma_wait3A_55 = arith.constant 0 : i32
    %dma_wait3A_56 = tpu.memref_slice %arg4[%dma_wait3A, %mul3A_2, %dma_wait3A_55] : memref<50x4096x128xf32, #tpu.memory_space<hbm>> -> memref<2x128x128xf32, #tpu.memory_space<hbm>>
    %dma_wait3A_57 = arith.constant 0 : i32
    %dma_wait3A_58 = arith.constant 0 : i32
    %dma_wait3A_59 = tpu.memref_slice %arg4[%dma_wait3A_57, %mul3A_2, %dma_wait3A_58] : memref<50x4096x128xf32, #tpu.memory_space<hbm>> -> memref<2x128x128xf32, #tpu.memory_space<hbm>>
    tpu.wait_dma2 semaphore(%arg10 : memref<!tpu.dma_semaphore, #tpu.memory_space<semaphore_mem>>) src(%arg6 : memref<2x128x128xf32, #tpu.memory_space<vmem>>) dst(%dma_wait3A_59 : memref<2x128x128xf32, #tpu.memory_space<hbm>>)
    %dma_wait3A_60 = arith.constant 0 : i32
    %dma_wait3A_61 = arith.constant 0 : i32
    %dma_wait3A_62 = tpu.memref_slice %arg4[%dma_wait3A_60, %mul3A_2, %dma_wait3A_61] : memref<50x4096x128xf32, #tpu.memory_space<hbm>> -> memref<2x128x128xf32, #tpu.memory_space<hbm>>
    %dma_wait3A_63 = arith.constant 0 : i32
    %dma_wait3A_64 = arith.constant 0 : i32
    %dma_wait3A_65 = tpu.memref_slice %arg4[%dma_wait3A_63, %mul3A_2, %dma_wait3A_64] : memref<50x4096x128xf32, #tpu.memory_space<hbm>> -> memref<2x128x128xf32, #tpu.memory_space<hbm>>
    tpu.wait_dma2 semaphore(%arg11 : memref<!tpu.dma_semaphore, #tpu.memory_space<semaphore_mem>>) src(%arg7 : memref<2x128x128xf32, #tpu.memory_space<vmem>>) dst(%dma_wait3A_65 : memref<2x128x128xf32, #tpu.memory_space<hbm>>)
    return
  }
}

</mosaic_0001>

<sc_bundles>
// kernel: kernel.3.cloned.1.call-start
scs
__scs_entry_jumppad:
0x0: {  	(pc) =	sbr.rel $0x88, $3  }
0x1: {  	(tag) =	ssettag $0x0;
	lr =	simm.s32 $0x1  }
0x2: {  	[smem:$0x3F9F] =	sst lr;
	_ =	strace $0xD0000000  }
0x3: {  	_ = 	snop  }
0x4: {  	_ = 	snop  }
0x5: {  	_ = 	snop  }
0x6: {  	_ = 	snop  }
0x7: {  	_ = 	snop  }
__scs_overlays_trampoline_lowered:
0x8: {  	[smem:$0x3FAE] =	sst s0  }
0x9: {  	[smem:$0x3FAF] =	sst s1  }
0xa: {  	[smem:$0x3FB0] =	sst s2  }
0xb: {  	[smem:$0x3FB1] =	sst s3  }
0xc: {  	[smem:$0x3FB2] =	sst s4  }
0xd: {  	[smem:$0x3FB3] =	sst s5  }
0xe: {  	[smem:$0x3FB4] =	sst s6  }
0xf: {  	[smem:$0x3FB5] =	sst s7  }
0x10: {  	[smem:$0x3FB6] =	sst s8  }
0x11: {  	[smem:$0x3FB7] =	sst s9;
	s0 =	simm.s32 @!p0 $0x0  }
0x12: {  	s1 =	sld [smem:$0x3F9D];
	s0 =	simm.s32 @p0 $0x1  }
0x13: {  	[smem:$0x3FB8] =	sst s0;
	s0 =	simm.s32 @!p1 $0x0  }
0x14: {  	s2 =	sld [smem:$0x3F9C];
	s0 =	simm.s32 @p1 $0x1  }
0x15: {  	[smem:$0x3FB9] =	sst s0;
	s0 =	simm.s32 @!p2 $0x0  }
0x16: {  	s3 =	sld [smem:$0x3FDB];
	s0 =	simm.s32 @p2 $0x1  }
0x17: {  	s4 =	simm.s32 $0x1BF5;
	[smem:$0x3FBB] =	sst s0  }
0x18: {  	s0 =	sld [smem:$0x3F9E];
	_ =	swait.ge [sflag:s4], $0x0  }
0x19: {  	s7 =	sld [smem:$0x3F9F]  }
0x1a: {  	s8 =	sadd.s32 $0xFFFFE003, lr  }
0x1b: {  	s9 =	sadd.s32 $0xFFFFFEF7, lr;
	s5 =	simm.s32 $0xFFFFFFFF;
	p2 =	slt.u32 s8, $0xFFFFF086  }
0x1c: {  	p1 =	slt.u32 s9, $0xF7A;
	s5 =	simm.s32 @!p2 $0x0  }
0x1d: {  	s5 =	simm.s32 @p1 $0x1;
	p0 =	seq.s32 s7, s2  }
0x1e: {  	s7 =	smul.u32 @!p0 $0xF7A, s2;
	p2 =	seq.s32 @!p0 s5, $0x0  }
0x1f: {  	s9 =	smul.u32 $0xF7A, s1;
	s8 =	simm.s32 @!p0 $0x1BF5;
	p2 =	por !p2, p0  }
0x20: {  	[sflag:s8] =	ssyncset.s32 @!p0 $0xFFFFF086;
	s6 =	sadd.s32 @!p0 s3, s7;
	s7 =	simm.s32 @!p0 $0x108  }
0x21: {  	s3 =	sadd.s32 s3, s9;
	s6 =	sadd.s32 @!p0 $0x88, s6;
	s7 =	simm.s32 @p2 $0x1082  }
0x22: {  	[simem:s7], [sflag:s8] =	dma.local @!p0 [hbm:s6], $0xF7A  }
0x23: {  	s9 =	sor.u32 $0xD0000000, s2;
	s6 =	simm.s32 $0x108;
	_ =	swait.ge @!p0 [sflag:s8], $0x0  }
0x24: {  	s3 =	sadd.s32 $0x88, s3;
	s6 =	simm.s32 @!p1 $0x1082;
	[sflag:s4] =	ssyncset.s32 $0xFFFFF086  }
0x25: {  	[simem:s6], [sflag:s4] =	dma.local [hbm:s3], $0xF7A  }
0x26: {  	[smem:$0x3F9F] =	sst s1;
	(tag) =	ssettag s2;
	_ =	strace s9  }
0x27: {  	s1 =	sld [smem:$0x3FAF]  }
0x28: {  	s2 =	sld [smem:$0x3FB0]  }
0x29: {  	s4 =	sld [smem:$0x3FB2]  }
0x2a: {  	p0 =	seq.s32 s5, $0x0;
	s5 =	sld [smem:$0x3FB3]  }
0x2b: {  	s6 =	sld [smem:$0x3FB4]  }
0x2c: {  	s7 =	sld [smem:$0x3FB5]  }
0x2d: {  	s3 =	simm.s32 $0x108;
	s8 =	sld [smem:$0x3FB6]  }
0x2e: {  	s3 =	simm.s32 @!p0 $0x1082;
	s9 =	sld [smem:$0x3FB7]  }
0x2f: {  	lr =	sadd.s32 s0, s3;
	s0 =	sld [smem:$0x3FAE]  }
0x30: {  	s3 =	sld [smem:$0x3FB1]  }
0x31: {  	[smem:$0x3FBA] =	sst s10  }
0x32: {  	s10 =	sld [smem:$0x3FB8];
	_ =	sdelay $0x3  }
0x33: {  	p0 =	seq.s32 s10, $0x1;
	s10 =	sld [smem:$0x3FBA];
	_ =	sdelay $0x3  }
0x34: {  	[smem:$0x3FBA] =	sst s10  }
0x35: {  	s10 =	sld [smem:$0x3FB9];
	_ =	sdelay $0x3  }
0x36: {  	p1 =	seq.s32 s10, $0x1;
	s10 =	sld [smem:$0x3FBA];
	_ =	sdelay $0x3  }
0x37: {  	[smem:$0x3FBA] =	sst s10  }
0x38: {  	s10 =	sld [smem:$0x3FBB]  }
0x39: {  	_ = 	snop;
	(pc) =	sbr.ind lr, $3  }
0x3a: {  	_ = 	snop  }
0x3b: {  	_ = 	snop  }
0x3c: {  	p2 =	seq.s32 s10, $0x1;
	s10 =	sld [smem:$0x3FBA]  }
0x3d: {  	_ =	shalt  }
0x3e: {  	_ =	shalt  }
0x3f: {  	_ =	shalt  }
0x40: {  	_ =	shalt  }
0x41: {  	_ =	shalt  }
0x42: {  	_ =	shalt  }
0x43: {  	_ =	shalt  }
0x44: {  	_ =	shalt  }
0x45: {  	_ =	shalt  }
0x46: {  	_ =	shalt  }
0x47: {  	_ =	shalt  }
0x48: {  	_ =	shalt  }
0x49: {  	_ =	shalt  }
0x4a: {  	_ =	shalt  }
0x4b: {  	_ =	shalt  }
0x4c: {  	_ =	shalt  }
0x4d: {  	_ =	shalt  }
0x4e: {  	_ =	shalt  }
0x4f: {  	_ =	shalt  }
0x50: {  	_ =	shalt  }
0x51: {  	_ =	shalt  }
0x52: {  	_ =	shalt  }
0x53: {  	_ =	shalt  }
0x54: {  	_ =	shalt  }
0x55: {  	_ =	shalt  }
0x56: {  	_ =	shalt  }
0x57: {  	_ =	shalt  }
0x58: {  	_ =	shalt  }
0x59: {  	_ =	shalt  }
0x5a: {  	_ =	shalt  }
0x5b: {  	_ =	shalt  }
0x5c: {  	_ =	shalt  }
0x5d: {  	_ =	shalt  }
0x5e: {  	_ =	shalt  }
0x5f: {  	_ =	shalt  }
0x60: {  	_ =	shalt  }
0x61: {  	_ =	shalt  }
0x62: {  	_ =	shalt  }
0x63: {  	_ =	shalt  }
0x64: {  	_ =	shalt  }
0x65: {  	_ =	shalt  }
0x66: {  	_ =	shalt  }
0x67: {  	_ =	shalt  }
0x68: {  	_ =	shalt  }
0x69: {  	_ =	shalt  }
0x6a: {  	_ =	shalt  }
0x6b: {  	_ =	shalt  }
0x6c: {  	_ =	shalt  }
0x6d: {  	_ =	shalt  }
0x6e: {  	_ =	shalt  }
0x6f: {  	_ =	shalt  }
0x70: {  	_ =	shalt  }
0x71: {  	_ =	shalt  }
0x72: {  	_ =	shalt  }
0x73: {  	_ =	shalt  }
0x74: {  	_ =	shalt  }
0x75: {  	_ =	shalt  }
0x76: {  	_ =	shalt  }
0x77: {  	_ =	shalt  }
0x78: {  	_ =	shalt  }
0x79: {  	_ =	shalt  }
0x7a: {  	_ =	shalt  }
0x7b: {  	_ =	shalt  }
0x7c: {  	_ =	shalt  }
0x7d: {  	_ =	shalt  }
0x7e: {  	_ =	shalt  }
0x7f: {  	_ =	shalt  }
0x80: {  	_ =	shalt  }
0x81: {  	_ =	shalt  }
0x82: {  	_ =	shalt  }
0x83: {  	_ =	shalt  }
0x84: {  	_ =	shalt  }
0x85: {  	_ =	shalt  }
0x86: {  	_ =	shalt  }
0x87: {  	_ =	shalt  }
.Lfunc_end0:
.L_simem_size_0:
called_computation_lowered:
.L_overlay_start_0:
0x88: {  	s2 =	sld [smem:$0x3FD9]  }
0x89: {  	s3 =	sld [smem:$0x3FFE];
	_ =	sdelay $0x1  }
0x8a: {  	s1 =	srdreg.scid  }
0x8b: {  	s0 =	sand.u32 $0x1, s1  }
0x8c: {  	s18 =	sshll.u32 s0, $0xA;
	s2 =	sadd.s32 s3, s2  }
0x8d: {  	s2 =	sadd.s32 s2, s18  }
0x8e: {  	[smem:$0x3FC6] =	sst s2  }
0x8f: {  	_ = 	snop  }
0x90: {  	s2 =	sld [smem:$0x3FC9]  }
0x91: {  	s19 =	sld [smem:$0x3FC8]  }
0x92: {  	s4 =	sld [smem:$0x3FD0];
	(tm) =	ssettm $0x1  }
0x93: {  	s5 =	sld [smem:$0x3FFB];
	_ =	sdelay $0x3  }
0x94: {  	_ =	strace s5  }
0x95: {  	s5 =	sld [smem:$0x3FFC];
	_ =	sdelay $0x3  }
0x96: {  	_ =	strace s5  }
0x97: {  	s5 =	sld [smem:$0x3FFD];
	_ =	sdelay $0x3  }
0x98: {  	_ =	strace s5  }
0x99: {  	_ =	strace $0x8FFFFFFF  }
0x9a: {  	s20 =	sld [smem:$0x3FDB];
	_ =	sdelay $0x1  }
0x9b: {  	s6 =	simm.s32 $_scs_section_size  }
0x9c: {  	s7 =	simm.s32 $_size__tile_overlayer_lowered;
	s8 =	simm.s32 $_tile_overlayer_lowered  }
0x9d: {  	s23 =	simm.s32 $0x1BFF;
	s22 =	sshll.u32 s8, $0x1;
	s5 =	sadd.s32 s6, s20  }
0x9e: {  	s9 =	simm.s32 $0x0;
	s21 =	sshll.u32 s7, $0x1;
	s7 =	sadd.s32 s22, s5  }
0x9f: {  	[timem:s9], [sflag:s23] =	dma.local [hbm:s7], s21  }
0xa0: {  	_ =	swait.ge [sflag:s23], s21  }
0xa1: {  	s6 =	ssub.s32 $0x0, s21;
	[sflag:s23] =	ssyncset.done $0x0  }
0xa2: {  	[sflag:s23] =	ssyncadd.s32 s6;
	_ =	sdelay $0x1  }
0xa3: {  	s24 =	simm.s32 $0x1B8B  }
0xa4: {  	_ =	swait.ge [sflag:s24], $0x1  }
0xa5: {  	[sflag:s24] =	ssyncset.done $0x0  }
0xa6: {  	s25 =	simm.s32 $0x1B8E;
	[sflag:s24] =	ssyncadd.s32 $0xFFFFFFFF  }
0xa7: {  	s26 =	simm.s32 $execute0_lowered;
	[smem:$0x3FD2] =	sst s25  }
0xa8: {  	s6 =	sshll.u32 s26, $0x1;
	_ =	strace $0x80000046;
	[dreg:$0x1] =	wrdreg $0xFFFFFFFF  }
0xa9: {  	s28 =	simm.s32 $_size_execute0_lowered;
	s5 =	sadd.s32 s5, s6;
	[dreg:$0x0] =	wrdreg $0x0  }
0xaa: {  	s6 =	sshll.u32 s28, $0x1;
	[dreg:$0x2] =	wrdreg s5  }
0xab: {  	[dreg:$0x3] =	wrdreg s6  }
0xac: {  	[dreg:$0x4] =	wrdreg $0xC0  }
0xad: {  	_ =	task [dreg:s9], $0x5FFFF  }
0xae: {  	[dreg:$0x1] =	wrdreg $0xFFFFFFFF  }
0xaf: {  	[dreg:$0x0] =	wrdreg $0x60  }
0xb0: {  	[dreg:$0x2] =	wrdreg s2  }
0xb1: {  	[dreg:$0x3] =	wrdreg s19  }
0xb2: {  	[dreg:$0x4] =	wrdreg s4  }
0xb3: {  	[dreg:$0x5] =	wrdreg $0x9  }
0xb4: {  	_ =	task.clear_ibuf [dreg:s9], $0x6FFFF;
	_ =	strace $0x90000046  }
0xb5: {  	s29 =	simm.s32 $0x9;
	_ =	strace $0x80000048  }
0xb6: {  	_ =	swait.ge [sflag:s29], $0x1  }
0xb7: {  	[sflag:s29] =	ssyncadd.s32 $0xFFFFFFFF  }
0xb8: {  	_ =	strace $0x90000048  }
0xb9: {  	_ =	sfence  }
0xba: {  	s30 =	sld [smem:$0x0];
	_ =	sdelay $0x2  }
0xbb: {  	s31 =	sshll.u32 s1, $0xD;
	s1 =	sshrl.u32 s1, $0x2  }
0xbc: {  	s3 =	sand.u32 $0x4000, s31;
	s1 =	sadd.s32 s1, s30  }
0xbd: {  	s0 =	sor.u32 s3, s0;
	s1 =	sshll.u32 s1, $0x11  }
0xbe: {  	s0 =	sor.u32 s1, s0  }
0xbf: {  	s0 =	sadd.s32 $0x8F2B, s0  }
0xc0: {  	[sflag:s0] =	ssyncadd.remote.s32 $0x1  }
0xc1: {  	_ =	sfence.sel $0xFFFF  }
0xc2: {  	[dreg:$0x0] =	wrdreg $0xFFFFFFFF;
	(pc) =	sbr.abs _section_cstart, $3  }
0xc3: {  	[dreg:$0x1] =	wrdreg $0xFFFFFFFF  }
0xc4: {  	_ =	task.clear_ibuf [dreg:s9], $0x2FFFF;
	_ =	strace $0x9FFFFFFF  }
0xc5: {  	(tm) =	ssettm $0x7FFFFFFF  }
tec
execute0_lowered:
.L_overlay_start_1:
0x0: {  	(tag) =	ssettag $0x1  }
0x1: {  	s0 =	rddreg [dreg:$0x0]  }
0x2: {  	s1 =	rddreg [dreg:$0x1]  }
0x3: {  	s2 =	rddreg [dreg:$0x2];
	s3 =	simm.s32 $0x0  }
0x4: {  	s4 =	srdreg.scid;
	s9 =	stileid.u32;
	s12 =	simm.s32 $0x8000  }
0x5: {  	s13 =	simm.s32 $0x1800;
	s14 =	simm.s32 $0x5;
	s15 =	simm.s32 $0x80  }
0x6: {  	s16 =	simm.s32 $0x1C00;
	s17 =	simm.s32 $0x5C00;
	s18 =	simm.s32 $0x100  }
0x7: {  	s19 =	simm.s32 $0x9C00;
	s20 =	simm.s32 $0x180;
	s21 =	simm.s32 $0xDC00  }
0x8: {  	s22 =	simm.s32 $0x1;
	s23 =	simm.s32 $0x4000;
	s28 =	simm.s32 $0x4  }
0x9: {  	s29 =	simm.s32 $0x1880;
	s30 =	simm.s32 $0x0;
	[smem:$0x7FF] =	sst s3  }
0xa: {  	s7 =	sand.u32 $0x1, s4;
	s5 =	sshll.u32 s9, $0x8;
	s26 =	sshll.u32 s9, $0xC  }
0xb: {  	s4 =	ssub.s32 $0x2, s7;
	s6 =	sshll.u32 s7, $0x7;
	_ =	strace $0x80000047  }
0xc: {  	s31 =	sshll.u32 s7, $0xB;
	s8 =	sshrl.u32 s4, $0x1;
	s5 =	sor.u32 s6, s5  }
0xd: {  	s24 =	ssub.s32 s4, s8;
	s4 =	sadd.s32 s0, s5;
	s25 =	sshll.u32 s5, $0x4  }
0xe: {  	s5 =	sadd.s32 $0x6000, s4;
	s0 =	sadd.s32 s2, s25;
	s6 =	smax.u32 s24, $0x1  }
0xf: {  	s2 =	sadd.s32 s26, s2;
	s24 =	simm.s32 $0x80000;
	s25 =	simm.s32 $0x3  }
0x10: {  	s26 =	simm.s32 $0x2;
	s7 =	sadd.s32 $0x300000, s0;
	s2 =	sadd.s32 s31, s2  }
0x11: {  	s8 =	sadd.s32 $0x2C0000, s0;
	s9 =	sadd.s32 $0x2E0000, s0;
	s10 =	sadd.s32 $0x20000, s2  }
.LBB2_1:
0x12: {  	s0 =	simm.s32 $0x400  }
0x13: {  	[tilespmem:s3], [sflag:$0x5] =	stream.strided.gather [hbm4b:s4+s0], $0x1800, s12, s0, $0x38;
	[tilespmem:$0x11C00] =	vst v63  }
0x14: {  	_ = 	snop  }
0x15: {  	[tilespmem:s13], [sflag:$0x5] =	stream.linear.gather [hbm4b:s5+s3], $0x100, $0x38;
	[tilespmem:$0x11C00] =	vst v63  }
0x16: {  	_ =	swait.ge [sflag:s14], $0x1900  }
0x17: {  	[sflag:s14] =	ssyncset.done $0x0  }
0x18: {  	[sflag:s14] =	ssyncadd.s32 $0xFFFFE700  }
0x19: {  	[tilespmem:s16], [sflag:$0x1] =	stream.indirect.gather [hbm4b:s1+s15], $0x80, s3, s15, $0xb8;
	[tilespmem:$0x11C00] =	vst v63  }
0x1a: {  	_ = 	snop  }
0x1b: {  	[tilespmem:s17], [sflag:$0x1] =	stream.indirect.gather [hbm4b:s1+s15], $0x80, s15, s15, $0xb8;
	[tilespmem:$0x11C00] =	vst v63  }
0x1c: {  	_ = 	snop  }
0x1d: {  	[tilespmem:s19], [sflag:$0x2] =	stream.indirect.gather [hbm4b:s1+s15], $0x80, s18, s15, $0xb8;
	[tilespmem:$0x11C00] =	vst v63  }
0x1e: {  	_ = 	snop  }
0x1f: {  	[tilespmem:s21], [sflag:$0x2] =	stream.indirect.gather [hbm4b:s1+s15], $0x80, s20, s15, $0xb8;
	[tilespmem:$0x11C00] =	vst v63  }
0x20: {  	_ =	swait.ge [sflag:s22], $0x4000  }
0x21: {  	[sflag:s22] =	ssyncset.done $0x0  }
0x22: {  	[sflag:s22] =	ssyncadd.s32 $0xFFFFC000  }
0x23: {  	_ =	swait.ge [sflag:s22], $0x4000  }
0x24: {  	[sflag:s22] =	ssyncset.done $0x0  }
0x25: {  	s2 =	sadd.s32 $0xFFFE0000, s10;
	[sflag:s22] =	ssyncadd.s32 $0xFFFFC000  }
0x26: {  	[hbm4b:s2+s23] =	stream.strided.scatter [tilespmem:s16], [sflag:$0x3], $0x8000, s24, s23, $0x38;
	[tilespmem:$0x11C00] =	vst v63  }
0x27: {  	_ =	swait.ge [sflag:s25], $0x8000  }
0x28: {  	[sflag:s25] =	ssyncset.done $0x0  }
0x29: {  	s11 =	simm.s32 $0x200;
	[sflag:s25] =	ssyncadd.s32 $0xFFFF8000  }
0x2a: {  	[tilespmem:s16], [sflag:$0x1] =	stream.indirect.gather [hbm4b:s1+s15], $0x80, s11, s15, $0xb8;
	[tilespmem:$0x11C00] =	vst v63  }
0x2b: {  	s2 =	simm.s32 $0x280  }
0x2c: {  	[tilespmem:s17], [sflag:$0x1] =	stream.indirect.gather [hbm4b:s1+s15], $0x80, s2, s15, $0xb8;
	[tilespmem:$0x11C00] =	vst v63  }
0x2d: {  	_ =	swait.ge [sflag:s26], $0x4000  }
0x2e: {  	[sflag:s26] =	ssyncset.done $0x0  }
0x2f: {  	[sflag:s26] =	ssyncadd.s32 $0xFFFFC000  }
0x30: {  	_ =	swait.ge [sflag:s26], $0x4000  }
0x31: {  	[sflag:s26] =	ssyncset.done $0x0  }
0x32: {  	[sflag:s26] =	ssyncadd.s32 $0xFFFFC000  }
0x33: {  	[hbm4b:s10+s23] =	stream.strided.scatter [tilespmem:s19], [sflag:$0x4], $0x8000, s24, s23, $0x38;
	[tilespmem:$0x11C00] =	vst v63  }
0x34: {  	_ =	swait.ge [sflag:s28], $0x8000  }
0x35: {  	s31 =	simm.s32 $0x800;
	s0 =	sadd.s32 $0x40000, s10;
	[sflag:s28] =	ssyncset.done $0x0  }
0x36: {  	s11 =	simm.s32 $0x300;
	s2 =	simm.s32 $0x380;
	[sflag:s28] =	ssyncadd.s32 $0xFFFF8000  }
0x37: {  	[tilespmem:s19], [sflag:$0x2] =	stream.indirect.gather [hbm4b:s1+s15], $0x80, s11, s15, $0xb8;
	[tilespmem:$0x11C00] =	vst v63  }
.LBB2_2:
0x38: {  	[tilespmem:s21], [sflag:$0x2] =	stream.indirect.gather [hbm4b:s1+s15], $0x80, s2, s15, $0xb8;
	[tilespmem:$0x11C00] =	vst v63  }
0x39: {  	s2 =	smov.u32 s31  }
0x3a: {  	p0 =	sne.s32 s31, $0x5000;
	s31 =	sadd.s32 $0x800, s31;
	_ =	swait.ge [sflag:s22], $0x4000  }
0x3b: {  	[sflag:s22] =	ssyncset.done $0x0  }
0x3c: {  	[sflag:s22] =	ssyncadd.s32 $0xFFFFC000  }
0x3d: {  	_ =	swait.ge [sflag:s22], $0x4000  }
0x3e: {  	[sflag:s22] =	ssyncset.done $0x0  }
0x3f: {  	s11 =	sadd.s32 $0xFFFE0000, s0;
	[sflag:s22] =	ssyncadd.s32 $0xFFFFC000  }
0x40: {  	[hbm4b:s11+s23] =	stream.strided.scatter [tilespmem:s16], [sflag:$0x3], $0x8000, s24, s23, $0x38;
	[tilespmem:$0x11C00] =	vst v63  }
0x41: {  	_ =	swait.ge [sflag:s25], $0x8000  }
0x42: {  	s2 =	sshra.s32 s2, $0x2;
	[sflag:s25] =	ssyncset.done $0x0  }
0x43: {  	s11 =	sadd.s32 $0x200, s2;
	[sflag:s25] =	ssyncadd.s32 $0xFFFF8000  }
0x44: {  	[tilespmem:s16], [sflag:$0x1] =	stream.indirect.gather [hbm4b:s1+s15], $0x80, s11, s15, $0xb8;
	[tilespmem:$0x11C00] =	vst v63  }
0x45: {  	s11 =	sadd.s32 $0x280, s2  }
0x46: {  	[tilespmem:s17], [sflag:$0x1] =	stream.indirect.gather [hbm4b:s1+s15], $0x80, s11, s15, $0xb8;
	[tilespmem:$0x11C00] =	vst v63  }
0x47: {  	_ =	swait.ge [sflag:s26], $0x4000  }
0x48: {  	[sflag:s26] =	ssyncset.done $0x0  }
0x49: {  	[sflag:s26] =	ssyncadd.s32 $0xFFFFC000  }
0x4a: {  	_ =	swait.ge [sflag:s26], $0x4000  }
0x4b: {  	[sflag:s26] =	ssyncset.done $0x0  }
0x4c: {  	[sflag:s26] =	ssyncadd.s32 $0xFFFFC000  }
0x4d: {  	[hbm4b:s0+s23] =	stream.strided.scatter [tilespmem:s19], [sflag:$0x4], $0x8000, s24, s23, $0x38;
	[tilespmem:$0x11C00] =	vst v63  }
.Ltmp0:
0x4e: {  	_ =	swait.ge [sflag:s28], $0x8000;
	(pc) =	sbr.rel @p0 .LBB2_2-.Ltmp0, $4  }
0x4f: {  	[sflag:s28] =	ssyncset.done $0x0  }
0x50: {  	s11 =	sadd.s32 $0x300, s2;
	[sflag:s28] =	ssyncadd.s32 $0xFFFF8000  }
0x51: {  	[tilespmem:s19], [sflag:$0x2] =	stream.indirect.gather [hbm4b:s1+s15], $0x80, s11, s15, $0xb8;
	[tilespmem:$0x11C00] =	vst v63  }
0x52: {  	s2 =	sadd.s32 $0x380, s2;
	s0 =	sadd.s32 $0x40000, s0  }
0x53: {  	[tilespmem:s21], [sflag:$0x2] =	stream.indirect.gather [hbm4b:s1+s15], $0x80, s2, s15, $0xb8;
	[tilespmem:$0x11C00] =	vst v63  }
0x54: {  	_ =	swait.ge [sflag:s22], $0x4000  }
0x55: {  	[sflag:s22] =	ssyncset.done $0x0  }
0x56: {  	[sflag:s22] =	ssyncadd.s32 $0xFFFFC000  }
0x57: {  	_ =	swait.ge [sflag:s22], $0x4000  }
0x58: {  	[sflag:s22] =	ssyncset.done $0x0  }
0x59: {  	[sflag:s22] =	ssyncadd.s32 $0xFFFFC000  }
0x5a: {  	[hbm4b:s8+s23] =	stream.strided.scatter [tilespmem:s16], [sflag:$0x3], $0x8000, s24, s23, $0x38;
	[tilespmem:$0x11C00] =	vst v63  }
0x5b: {  	_ =	swait.ge [sflag:s25], $0x8000  }
0x5c: {  	[sflag:s25] =	ssyncset.done $0x0  }
0x5d: {  	[sflag:s25] =	ssyncadd.s32 $0xFFFF8000  }
0x5e: {  	[tilespmem:s16], [sflag:$0x1] =	stream.indirect.gather [hbm4b:s1+s15], $0x80, s13, s15, $0xb8;
	[tilespmem:$0x11C00] =	vst v63  }
0x5f: {  	_ = 	snop  }
0x60: {  	[tilespmem:s17], [sflag:$0x1] =	stream.indirect.gather [hbm4b:s1+s15], $0x80, s29, s15, $0xb8;
	[tilespmem:$0x11C00] =	vst v63  }
0x61: {  	_ =	swait.ge [sflag:s26], $0x4000  }
0x62: {  	[sflag:s26] =	ssyncset.done $0x0  }
0x63: {  	[sflag:s26] =	ssyncadd.s32 $0xFFFFC000  }
0x64: {  	_ =	swait.ge [sflag:s26], $0x4000  }
0x65: {  	[sflag:s26] =	ssyncset.done $0x0  }
0x66: {  	[sflag:s26] =	ssyncadd.s32 $0xFFFFC000  }
0x67: {  	[hbm4b:s9+s23] =	stream.strided.scatter [tilespmem:s19], [sflag:$0x4], $0x8000, s24, s23, $0x38;
	[tilespmem:$0x11C00] =	vst v63  }
0x68: {  	_ =	swait.ge [sflag:s22], $0x4000  }
0x69: {  	[sflag:s22] =	ssyncset.done $0x0  }
0x6a: {  	[sflag:s22] =	ssyncadd.s32 $0xFFFFC000  }
0x6b: {  	_ =	swait.ge [sflag:s22], $0x4000  }
0x6c: {  	[sflag:s22] =	ssyncset.done $0x0  }
0x6d: {  	s30 =	sadd.s32 $0x1, s30;
	[sflag:s22] =	ssyncadd.s32 $0xFFFFC000  }
0x6e: {  	[hbm4b:s7+s23] =	stream.strided.scatter [tilespmem:s16], [sflag:$0x3], $0x8000, s24, s23, $0x38;
	[tilespmem:$0x11C00] =	vst v63  }
0x6f: {  	p0 =	sne.s32 s30, s6;
	_ =	swait.ge [sflag:s25], $0x8000  }
.Ltmp1:
0x70: {  	[sflag:s25] =	ssyncset.done $0x0;
	(pc) =	sbr.rel @p0 .LBB2_1-.Ltmp1, $4  }
0x71: {  	[sflag:s25] =	ssyncadd.s32 $0xFFFF8000  }
0x72: {  	_ =	swait.ge [sflag:s28], $0x8000  }
0x73: {  	[sflag:s28] =	ssyncset.done $0x0  }
0x74: {  	[sflag:s28] =	ssyncadd.s32 $0xFFFF8000  }
0x75: {  	_ =	sfence.sel $0x180000  }
0x76: {  	[bflag:$0x0] =	sbarrier.arrive $0xFFFF  }
0x77: {  	_ =	strace $0x90000047  }
0x78: {  	s0 =	stileid.u32;
	[bflag:$0x2] =	sbarrier.arrive $0xFFFF  }
0x79: {  	p0 =	sne.s32 s0, $0x0;
	s0 =	rddreg [dreg:$0x3]  }
0x7a: {  	s0 =	sadd.s32 @!p0 $0x100000, s0  }
0x7b: {  	[sflag:s0] =	ssyncadd.tile.s32 @!p0 $0x1;
	_ =	shalt  }
.Lfunc_end2:
_tile_overlayer_lowered:
.L_overlay_start_2:
0x7c: {  	(tag) =	ssettag $0x2  }
0x7d: {  	s0 =	rddreg [dreg:$0x0];
	s2 =	stileid.u32  }
0x7e: {  	s1 =	rddreg [dreg:$0x1];
	p0 =	sne.s32 s2, $0x0  }
0x7f: {  	s3 =	rddreg [dreg:$0x2];
	[bflag:$0x3] =	sbarrier.arrive $0xFFFF;
	s2 =	simm.s32 @!p0 $0x1C05  }
0x80: {  	[timem:s3], [sflag:s2] =	dma.local @!p0 [hbm:s0], s1  }
0x81: {  	s0 =	simm.s32 @!p0 $0x5  }
0x82: {  	_ =	swait.ge @!p0 [sflag:s0], s1  }
0x83: {  	s1 =	ssub.s32 @!p0 $0x0, s1;
	[sflag:s0] =	ssyncset.done @!p0 $0x0  }
0x84: {  	[sflag:s0] =	ssyncadd.s32 @!p0 s1  }
0x85: {  	[bflag:$0x3] =	sbarrier.arrive $0xFFFF  }
0x86: {  	_ =	shalt  }

</sc_bundles>
